<compile_context>
chip_gen: v7x
topology: tpu7x:2x2x1
jax: 0.10.2.dev20260603
libtpu: 0.0.44.dev20260713+nightly
codegen_flags: <defaults>
</compile_context>

<pallas_src>
import functools

import jax
import jax.numpy as jnp
from jax import lax
from jax.experimental import pallas as pl
from jax.experimental.pallas import tpu as pltpu
from jax.experimental.pallas import tpu_sc as plsc

_B = 16384 * 26
_B0 = 1000000
_D = 32
_C = 128
_NC, _NS = 2, 16
_NW = _NC * _NS
_PER_W = _B // _NW
_NCHUNK = _PER_W // _C


_PACK = 128 // _D
_RBO = 4096
_M = _PACK * _RBO
_NBLK = _B0 // _M
_MAIN = _NBLK * _M
_TAIL = _B0 - _MAIN
_TB = 64
_P = _NBLK * _RBO + _TAIL
_B0V = _P * _PACK


def _compact_block(i0, i1, i2, i3, o_ref):
    o_ref[...] = jnp.concatenate(
        [i0[...], i1[...], i2[...], i3[...]], axis=0
    ).T


def _tail_block(i_ref, full_ref, o_ref):
    del full_ref
    o_ref[...] = jnp.concatenate([i_ref[...]] * _PACK, axis=1)


def _compact_table(wt, weight):
    in_specs = [
        pl.BlockSpec(
            (_D, _RBO), functools.partial(lambda k, i: (0, 4 * i + k), k)
        )
        for k in range(_PACK)
    ]
    main = pl.pallas_call(
        _compact_block,
        grid=(_NBLK,),
        in_specs=in_specs,
        out_specs=pl.BlockSpec((_RBO, _PACK * _D), lambda i: (i, 0)),
        out_shape=jax.ShapeDtypeStruct((_P, _PACK * _D), jnp.float32),
        compiler_params=pltpu.CompilerParams(
            dimension_semantics=("parallel",)
        ),
    )(wt, wt, wt, wt)
    tail = jax.lax.slice(weight, (_MAIN, 0), (_B0, _D))
    return pl.pallas_call(
        _tail_block,
        grid=(_TAIL // _TB,),
        in_specs=[
            pl.BlockSpec((_TB, _D), lambda j: (j, 0)),
            pl.BlockSpec(memory_space=pl.ANY),
        ],
        out_specs=pl.BlockSpec((_TB, _PACK * _D), lambda j: (_NBLK * _RBO // _TB + j, 0)),
        out_shape=jax.ShapeDtypeStruct((_P, _PACK * _D), jnp.float32),
        input_output_aliases={1: 0},
    )(tail, main)


def kernel(x, weight):
    weight = _compact_table(weight.T, weight).reshape(_B0V, _D)
    idx = x.T.reshape(_B)
    t = idx % _M
    idx = jnp.where(
        idx < _MAIN,
        (idx - t) + _PACK * (t % _RBO) + t // _RBO,
        _PACK * idx - (_PACK - 1) * _MAIN,
    )
    mesh = plsc.VectorSubcoreMesh(core_axis_name="c", subcore_axis_name="s")

    @functools.partial(
        pl.kernel,
        mesh=mesh,
        out_type=jax.ShapeDtypeStruct((_B, _D), jnp.float32),
        compiler_params=pltpu.CompilerParams(use_tc_tiling_on_sc=False),
        scratch_types=[
            pltpu.VMEM((_PER_W,), jnp.int32),
            pltpu.VMEM((_C, _D), jnp.float32),
            pltpu.VMEM((_C, _D), jnp.float32),
            pltpu.SemaphoreType.DMA,
            pltpu.SemaphoreType.DMA,
        ],
    )
    def gather_kernel(w_hbm, i_hbm, o_hbm, idx_v, rows0, rows1, sem0, sem1):
        wid = lax.axis_index("s") * _NC + lax.axis_index("c")
        base = wid * _PER_W

        pltpu.sync_copy(i_hbm.at[pl.ds(base, _PER_W)], idx_v)

        def start(j, rows, sem):
            pltpu.async_copy(w_hbm.at[idx_v.at[pl.ds(j * _C, _C)]], rows, sem)

        def wait(rows, sem):
            pltpu.make_async_copy(w_hbm.at[pl.ds(0, _C)], rows, sem).wait()

        def store(j, rows):
            pltpu.sync_copy(rows, o_hbm.at[pl.ds(base + j * _C, _C)])

        start(0, rows0, sem0)
        start(1, rows1, sem1)

        @pl.loop(0, _NCHUNK - 2, step=2)
        def _(j):
            wait(rows0, sem0)
            store(j, rows0)
            start(j + 2, rows0, sem0)
            wait(rows1, sem1)
            store(j + 1, rows1)
            start(j + 3, rows1, sem1)

        wait(rows0, sem0)
        store(_NCHUNK - 2, rows0)
        wait(rows1, sem1)
        store(_NCHUNK - 1, rows1)

    out = gather_kernel(weight, idx)
    h = jnp.swapaxes(out.reshape(26, 16384, _D), 1, 2)
    return h.transpose(2, 0, 1)

# --- scband reference (transcript-rebuilt; emitter-appended) ---
"""Pipeline reference for scband-embedding-3865470566616 (READ-ONLY COPY).

The authoritative reference and input builder live on the scoring server;
editing this copy changes nothing except your own understanding.
"""

import jax, jax.numpy as jnp
import numpy as np

NUM_EMBEDDINGS = 1000000
EMBEDDING_DIM = 32

def setup_inputs(seed: int = 0) -> dict:
    key = jax.random.key(seed)
    k_idx, k_w = jax.random.split(key)
    x = jax.random.randint(k_idx, (16384, 26), 0, NUM_EMBEDDINGS, dtype=jnp.int64 if jax.config.read('jax_enable_x64') else jnp.int32)
    # truncated normal init, mean 0 std 1, clipped to [-3, 3]
    weight = jax.random.truncated_normal(k_w, -3.0, 3.0, (NUM_EMBEDDINGS, EMBEDDING_DIM), dtype=jnp.float32)
    return {"x": x, "weight": weight}

def reference(x, weight):
    # Equivalent of torch: self.weight[x]
    return jnp.take(weight, x, axis=0)

if __name__ == "__main__":
    import jax
    _d = setup_inputs()
    print(jax.jit(kernel)(*tuple(_d.values())))

</pallas_src>

<mosaic_0001>
#map = affine_map<(d0, d1) -> (0, 0)>
#map1 = affine_map<(d0, d1) -> (0)>
module attributes {stable_mosaic.version = 14 : i64} {
  func.func @gather_kernel(%arg0: i32, %arg1: i32, %arg2: memref<1001728x32xf32, #tpu.memory_space<hbm>>, %arg3: memref<425984xi32, #tpu.memory_space<hbm>>, %arg4: memref<425984x32xf32, #tpu.memory_space<hbm>>, %arg5: memref<13312xi32, #tpu.memory_space<vmem>>, %arg6: memref<128x32xf32, #tpu.memory_space<vmem>>, %arg7: memref<128x32xf32, #tpu.memory_space<vmem>>, %arg8: memref<!tpu.dma_semaphore, #tpu.memory_space<semaphore_mem>>, %arg9: memref<!tpu.dma_semaphore, #tpu.memory_space<semaphore_mem>>) attributes {dimension_semantics = [#tpu.dimension_semantics<core_parallel>, #tpu.dimension_semantics<subcore_parallel>], iteration_bounds = array<i64: 2, 16>, scalar_prefetch = 0 : i64, scratch_operands = 5 : i64, tpu.core_type = #tpu.core_type<sc_vector_subcore>, window_params = [{transform_indices = #map}, {transform_indices = #map1}, {transform_indices = #map}]} {
    %mul3A = arith.constant 2 : i32
    %mul3A_0 = arith.muli %arg1, %mul3A : i32
    %add3A = arith.addi %mul3A_0, %arg0 : i32
    %mul3A_1 = arith.constant 13312 : i32
    %mul3A_2 = arith.muli %add3A, %mul3A_1 : i32
    "tpu.region"() ({
      %run_scoped3A = tpu.sem_alloc : memref<!tpu.dma_semaphore, #tpu.memory_space<semaphore_mem>>
      %dma_start3A_31 = tpu.memref_slice %arg3[%mul3A_2] : memref<425984xi32, #tpu.memory_space<hbm>> -> memref<13312xi32, #tpu.memory_space<hbm>>
      %dma_start3A_32 = tpu.memref_slice %arg3[%mul3A_2] : memref<425984xi32, #tpu.memory_space<hbm>> -> memref<13312xi32, #tpu.memory_space<hbm>>
      tpu.enqueue_dma source(%dma_start3A_32 : memref<13312xi32, #tpu.memory_space<hbm>>) target(%arg5 : memref<13312xi32, #tpu.memory_space<vmem>>) target_semaphore(%run_scoped3A : memref<!tpu.dma_semaphore, #tpu.memory_space<semaphore_mem>>)
      %dma_wait3A_33 = tpu.memref_slice %arg3[%mul3A_2] : memref<425984xi32, #tpu.memory_space<hbm>> -> memref<13312xi32, #tpu.memory_space<hbm>>
      %dma_wait3A_34 = tpu.memref_slice %arg3[%mul3A_2] : memref<425984xi32, #tpu.memory_space<hbm>> -> memref<13312xi32, #tpu.memory_space<hbm>>
      tpu.wait_dma2 semaphore(%run_scoped3A : memref<!tpu.dma_semaphore, #tpu.memory_space<semaphore_mem>>) src(%dma_wait3A_34 : memref<13312xi32, #tpu.memory_space<hbm>>) dst(%arg5 : memref<13312xi32, #tpu.memory_space<vmem>>)
      tpu.yield
    }) : () -> ()
    %dma_start3A = arith.constant 0 : i32
    %dma_start3A_3 = tpu.memref_slice %arg5[%dma_start3A] : memref<13312xi32, #tpu.memory_space<vmem>> -> memref<128xi32, #tpu.memory_space<vmem>>
    %dma_start3A_4 = arith.constant 0 : i32
    %dma_start3A_5 = arith.constant 0 : i32
    %dma_start3A_6 = tpu.memref_slice %arg2[%dma_start3A_4, %dma_start3A_5] : memref<1001728x32xf32, #tpu.memory_space<hbm>> -> memref<1001728x32xf32, #tpu.memory_space<hbm>>
    tpu.enqueue_indirect_dma source(%dma_start3A_6 : memref<1001728x32xf32, #tpu.memory_space<hbm>>) target(%arg6 : memref<128x32xf32, #tpu.memory_space<vmem>>) offsets(%dma_start3A_3 : memref<128xi32, #tpu.memory_space<vmem>>) semaphore(%arg8 : memref<!tpu.dma_semaphore, #tpu.memory_space<semaphore_mem>>)
    %dma_start3A_7 = arith.constant 128 : i32
    %dma_start3A_8 = tpu.memref_slice %arg5[%dma_start3A_7] : memref<13312xi32, #tpu.memory_space<vmem>> -> memref<128xi32, #tpu.memory_space<vmem>>
    %dma_start3A_9 = arith.constant 0 : i32
    %dma_start3A_10 = arith.constant 0 : i32
    %dma_start3A_11 = tpu.memref_slice %arg2[%dma_start3A_9, %dma_start3A_10] : memref<1001728x32xf32, #tpu.memory_space<hbm>> -> memref<1001728x32xf32, #tpu.memory_space<hbm>>
    tpu.enqueue_indirect_dma source(%dma_start3A_11 : memref<1001728x32xf32, #tpu.memory_space<hbm>>) target(%arg7 : memref<128x32xf32, #tpu.memory_space<vmem>>) offsets(%dma_start3A_8 : memref<128xi32, #tpu.memory_space<vmem>>) semaphore(%arg9 : memref<!tpu.dma_semaphore, #tpu.memory_space<semaphore_mem>>)
    %scan3A = arith.constant 0 : i32
    %scan3A_12 = arith.constant 51 : i32
    %scan3A_13 = arith.addi %scan3A, %scan3A_12 : i32
    %scan3A_14 = arith.constant 1 : i32
    scf.for %scan3A_31 = %scan3A to %scan3A_13 step %scan3A_14  : i32 {
      %mul3A_32 = arith.constant 2 : i32
      %mul3A_33 = arith.muli %scan3A_31, %mul3A_32 : i32
      %add3A_34 = arith.constant 0 : i32
      %add3A_35 = arith.addi %add3A_34, %mul3A_33 : i32
      %dma_wait3A_36 = arith.constant 0 : i32
      %dma_wait3A_37 = arith.constant 0 : i32
      %dma_wait3A_38 = tpu.memref_slice %arg2[%dma_wait3A_36, %dma_wait3A_37] : memref<1001728x32xf32, #tpu.memory_space<hbm>> -> memref<128x32xf32, #tpu.memory_space<hbm>>
      %dma_wait3A_39 = arith.constant 0 : i32
      %dma_wait3A_40 = arith.constant 0 : i32
      %dma_wait3A_41 = tpu.memref_slice %arg2[%dma_wait3A_39, %dma_wait3A_40] : memref<1001728x32xf32, #tpu.memory_space<hbm>> -> memref<128x32xf32, #tpu.memory_space<hbm>>
      tpu.wait_dma2 semaphore(%arg8 : memref<!tpu.dma_semaphore, #tpu.memory_space<semaphore_mem>>) src(%dma_wait3A_41 : memref<128x32xf32, #tpu.memory_space<hbm>>) dst(%arg6 : memref<128x32xf32, #tpu.memory_space<vmem>>)
      %mul3A_42 = arith.constant 128 : i32
      %mul3A_43 = arith.muli %add3A_35, %mul3A_42 : i32
      %add3A_44 = arith.addi %mul3A_2, %mul3A_43 : i32
      "tpu.region"() ({
        %run_scoped3A = tpu.sem_alloc : memref<!tpu.dma_semaphore, #tpu.memory_space<semaphore_mem>>
        %dma_start3A_72 = arith.constant 0 : i32
        %dma_start3A_73 = tpu.memref_slice %arg4[%add3A_44, %dma_start3A_72] : memref<425984x32xf32, #tpu.memory_space<hbm>> -> memref<128x32xf32, #tpu.memory_space<hbm>>
        %dma_start3A_74 = arith.constant 0 : i32
        %dma_start3A_75 = tpu.memref_slice %arg4[%add3A_44, %dma_start3A_74] : memref<425984x32xf32, #tpu.memory_space<hbm>> -> memref<128x32xf32, #tpu.memory_space<hbm>>
        tpu.enqueue_dma source(%arg6 : memref<128x32xf32, #tpu.memory_space<vmem>>) target(%dma_start3A_75 : memref<128x32xf32, #tpu.memory_space<hbm>>) target_semaphore(%run_scoped3A : memref<!tpu.dma_semaphore, #tpu.memory_space<semaphore_mem>>)
        %dma_wait3A_76 = arith.constant 0 : i32
        %dma_wait3A_77 = tpu.memref_slice %arg4[%add3A_44, %dma_wait3A_76] : memref<425984x32xf32, #tpu.memory_space<hbm>> -> memref<128x32xf32, #tpu.memory_space<hbm>>
        %dma_wait3A_78 = arith.constant 0 : i32
        %dma_wait3A_79 = tpu.memref_slice %arg4[%add3A_44, %dma_wait3A_78] : memref<425984x32xf32, #tpu.memory_space<hbm>> -> memref<128x32xf32, #tpu.memory_space<hbm>>
        tpu.wait_dma2 semaphore(%run_scoped3A : memref<!tpu.dma_semaphore, #tpu.memory_space<semaphore_mem>>) src(%arg6 : memref<128x32xf32, #tpu.memory_space<vmem>>) dst(%dma_wait3A_79 : memref<128x32xf32, #tpu.memory_space<hbm>>)
        tpu.yield
      }) : () -> ()
      %add3A_45 = arith.constant 2 : i32
      %add3A_46 = arith.addi %add3A_35, %add3A_45 : i32
      %mul3A_47 = arith.constant 128 : i32
      %mul3A_48 = arith.muli %add3A_46, %mul3A_47 : i32
      %dma_start3A_49 = tpu.memref_slice %arg5[%mul3A_48] : memref<13312xi32, #tpu.memory_space<vmem>> -> memref<128xi32, #tpu.memory_space<vmem>>
      %dma_start3A_50 = arith.constant 0 : i32
      %dma_start3A_51 = arith.constant 0 : i32
      %dma_start3A_52 = tpu.memref_slice %arg2[%dma_start3A_50, %dma_start3A_51] : memref<1001728x32xf32, #tpu.memory_space<hbm>> -> memref<1001728x32xf32, #tpu.memory_space<hbm>>
      tpu.enqueue_indirect_dma source(%dma_start3A_52 : memref<1001728x32xf32, #tpu.memory_space<hbm>>) target(%arg6 : memref<128x32xf32, #tpu.memory_space<vmem>>) offsets(%dma_start3A_49 : memref<128xi32, #tpu.memory_space<vmem>>) semaphore(%arg8 : memref<!tpu.dma_semaphore, #tpu.memory_space<semaphore_mem>>)
      %dma_wait3A_53 = arith.constant 0 : i32
      %dma_wait3A_54 = arith.constant 0 : i32
      %dma_wait3A_55 = tpu.memref_slice %arg2[%dma_wait3A_53, %dma_wait3A_54] : memref<1001728x32xf32, #tpu.memory_space<hbm>> -> memref<128x32xf32, #tpu.memory_space<hbm>>
      %dma_wait3A_56 = arith.constant 0 : i32
      %dma_wait3A_57 = arith.constant 0 : i32
      %dma_wait3A_58 = tpu.memref_slice %arg2[%dma_wait3A_56, %dma_wait3A_57] : memref<1001728x32xf32, #tpu.memory_space<hbm>> -> memref<128x32xf32, #tpu.memory_space<hbm>>
      tpu.wait_dma2 semaphore(%arg9 : memref<!tpu.dma_semaphore, #tpu.memory_space<semaphore_mem>>) src(%dma_wait3A_58 : memref<128x32xf32, #tpu.memory_space<hbm>>) dst(%arg7 : memref<128x32xf32, #tpu.memory_space<vmem>>)
      %add3A_59 = arith.constant 1 : i32
      %add3A_60 = arith.addi %add3A_35, %add3A_59 : i32
      %mul3A_61 = arith.constant 128 : i32
      %mul3A_62 = arith.muli %add3A_60, %mul3A_61 : i32
      %add3A_63 = arith.addi %mul3A_2, %mul3A_62 : i32
      "tpu.region"() ({
        %run_scoped3A = tpu.sem_alloc : memref<!tpu.dma_semaphore, #tpu.memory_space<semaphore_mem>>
        %dma_start3A_72 = arith.constant 0 : i32
        %dma_start3A_73 = tpu.memref_slice %arg4[%add3A_63, %dma_start3A_72] : memref<425984x32xf32, #tpu.memory_space<hbm>> -> memref<128x32xf32, #tpu.memory_space<hbm>>
        %dma_start3A_74 = arith.constant 0 : i32
        %dma_start3A_75 = tpu.memref_slice %arg4[%add3A_63, %dma_start3A_74] : memref<425984x32xf32, #tpu.memory_space<hbm>> -> memref<128x32xf32, #tpu.memory_space<hbm>>
        tpu.enqueue_dma source(%arg7 : memref<128x32xf32, #tpu.memory_space<vmem>>) target(%dma_start3A_75 : memref<128x32xf32, #tpu.memory_space<hbm>>) target_semaphore(%run_scoped3A : memref<!tpu.dma_semaphore, #tpu.memory_space<semaphore_mem>>)
        %dma_wait3A_76 = arith.constant 0 : i32
        %dma_wait3A_77 = tpu.memref_slice %arg4[%add3A_63, %dma_wait3A_76] : memref<425984x32xf32, #tpu.memory_space<hbm>> -> memref<128x32xf32, #tpu.memory_space<hbm>>
        %dma_wait3A_78 = arith.constant 0 : i32
        %dma_wait3A_79 = tpu.memref_slice %arg4[%add3A_63, %dma_wait3A_78] : memref<425984x32xf32, #tpu.memory_space<hbm>> -> memref<128x32xf32, #tpu.memory_space<hbm>>
        tpu.wait_dma2 semaphore(%run_scoped3A : memref<!tpu.dma_semaphore, #tpu.memory_space<semaphore_mem>>) src(%arg7 : memref<128x32xf32, #tpu.memory_space<vmem>>) dst(%dma_wait3A_79 : memref<128x32xf32, #tpu.memory_space<hbm>>)
        tpu.yield
      }) : () -> ()
      %add3A_64 = arith.constant 3 : i32
      %add3A_65 = arith.addi %add3A_35, %add3A_64 : i32
      %mul3A_66 = arith.constant 128 : i32
      %mul3A_67 = arith.muli %add3A_65, %mul3A_66 : i32
      %dma_start3A_68 = tpu.memref_slice %arg5[%mul3A_67] : memref<13312xi32, #tpu.memory_space<vmem>> -> memref<128xi32, #tpu.memory_space<vmem>>
      %dma_start3A_69 = arith.constant 0 : i32
      %dma_start3A_70 = arith.constant 0 : i32
      %dma_start3A_71 = tpu.memref_slice %arg2[%dma_start3A_69, %dma_start3A_70] : memref<1001728x32xf32, #tpu.memory_space<hbm>> -> memref<1001728x32xf32, #tpu.memory_space<hbm>>
      tpu.enqueue_indirect_dma source(%dma_start3A_71 : memref<1001728x32xf32, #tpu.memory_space<hbm>>) target(%arg7 : memref<128x32xf32, #tpu.memory_space<vmem>>) offsets(%dma_start3A_68 : memref<128xi32, #tpu.memory_space<vmem>>) semaphore(%arg9 : memref<!tpu.dma_semaphore, #tpu.memory_space<semaphore_mem>>)
    }
    %scan3A_15 = arith.constant 51 : i32
    %dma_wait3A = arith.constant 0 : i32
    %dma_wait3A_16 = arith.constant 0 : i32
    %dma_wait3A_17 = tpu.memref_slice %arg2[%dma_wait3A, %dma_wait3A_16] : memref<1001728x32xf32, #tpu.memory_space<hbm>> -> memref<128x32xf32, #tpu.memory_space<hbm>>
    %dma_wait3A_18 = arith.constant 0 : i32
    %dma_wait3A_19 = arith.constant 0 : i32
    %dma_wait3A_20 = tpu.memref_slice %arg2[%dma_wait3A_18, %dma_wait3A_19] : memref<1001728x32xf32, #tpu.memory_space<hbm>> -> memref<128x32xf32, #tpu.memory_space<hbm>>
    tpu.wait_dma2 semaphore(%arg8 : memref<!tpu.dma_semaphore, #tpu.memory_space<semaphore_mem>>) src(%dma_wait3A_20 : memref<128x32xf32, #tpu.memory_space<hbm>>) dst(%arg6 : memref<128x32xf32, #tpu.memory_space<vmem>>)
    %add3A_21 = arith.constant 13056 : i32
    %add3A_22 = arith.addi %mul3A_2, %add3A_21 : i32
    "tpu.region"() ({
      %run_scoped3A = tpu.sem_alloc : memref<!tpu.dma_semaphore, #tpu.memory_space<semaphore_mem>>
      %dma_start3A_31 = arith.constant 0 : i32
      %dma_start3A_32 = tpu.memref_slice %arg4[%add3A_22, %dma_start3A_31] : memref<425984x32xf32, #tpu.memory_space<hbm>> -> memref<128x32xf32, #tpu.memory_space<hbm>>
      %dma_start3A_33 = arith.constant 0 : i32
      %dma_start3A_34 = tpu.memref_slice %arg4[%add3A_22, %dma_start3A_33] : memref<425984x32xf32, #tpu.memory_space<hbm>> -> memref<128x32xf32, #tpu.memory_space<hbm>>
      tpu.enqueue_dma source(%arg6 : memref<128x32xf32, #tpu.memory_space<vmem>>) target(%dma_start3A_34 : memref<128x32xf32, #tpu.memory_space<hbm>>) target_semaphore(%run_scoped3A : memref<!tpu.dma_semaphore, #tpu.memory_space<semaphore_mem>>)
      %dma_wait3A_35 = arith.constant 0 : i32
      %dma_wait3A_36 = tpu.memref_slice %arg4[%add3A_22, %dma_wait3A_35] : memref<425984x32xf32, #tpu.memory_space<hbm>> -> memref<128x32xf32, #tpu.memory_space<hbm>>
      %dma_wait3A_37 = arith.constant 0 : i32
      %dma_wait3A_38 = tpu.memref_slice %arg4[%add3A_22, %dma_wait3A_37] : memref<425984x32xf32, #tpu.memory_space<hbm>> -> memref<128x32xf32, #tpu.memory_space<hbm>>
      tpu.wait_dma2 semaphore(%run_scoped3A : memref<!tpu.dma_semaphore, #tpu.memory_space<semaphore_mem>>) src(%arg6 : memref<128x32xf32, #tpu.memory_space<vmem>>) dst(%dma_wait3A_38 : memref<128x32xf32, #tpu.memory_space<hbm>>)
      tpu.yield
    }) : () -> ()
    %dma_wait3A_23 = arith.constant 0 : i32
    %dma_wait3A_24 = arith.constant 0 : i32
    %dma_wait3A_25 = tpu.memref_slice %arg2[%dma_wait3A_23, %dma_wait3A_24] : memref<1001728x32xf32, #tpu.memory_space<hbm>> -> memref<128x32xf32, #tpu.memory_space<hbm>>
    %dma_wait3A_26 = arith.constant 0 : i32
    %dma_wait3A_27 = arith.constant 0 : i32
    %dma_wait3A_28 = tpu.memref_slice %arg2[%dma_wait3A_26, %dma_wait3A_27] : memref<1001728x32xf32, #tpu.memory_space<hbm>> -> memref<128x32xf32, #tpu.memory_space<hbm>>
    tpu.wait_dma2 semaphore(%arg9 : memref<!tpu.dma_semaphore, #tpu.memory_space<semaphore_mem>>) src(%dma_wait3A_28 : memref<128x32xf32, #tpu.memory_space<hbm>>) dst(%arg7 : memref<128x32xf32, #tpu.memory_space<vmem>>)
    %add3A_29 = arith.constant 13184 : i32
    %add3A_30 = arith.addi %mul3A_2, %add3A_29 : i32
    "tpu.region"() ({
      %run_scoped3A = tpu.sem_alloc : memref<!tpu.dma_semaphore, #tpu.memory_space<semaphore_mem>>
      %dma_start3A_31 = arith.constant 0 : i32
      %dma_start3A_32 = tpu.memref_slice %arg4[%add3A_30, %dma_start3A_31] : memref<425984x32xf32, #tpu.memory_space<hbm>> -> memref<128x32xf32, #tpu.memory_space<hbm>>
      %dma_start3A_33 = arith.constant 0 : i32
      %dma_start3A_34 = tpu.memref_slice %arg4[%add3A_30, %dma_start3A_33] : memref<425984x32xf32, #tpu.memory_space<hbm>> -> memref<128x32xf32, #tpu.memory_space<hbm>>
      tpu.enqueue_dma source(%arg7 : memref<128x32xf32, #tpu.memory_space<vmem>>) target(%dma_start3A_34 : memref<128x32xf32, #tpu.memory_space<hbm>>) target_semaphore(%run_scoped3A : memref<!tpu.dma_semaphore, #tpu.memory_space<semaphore_mem>>)
      %dma_wait3A_35 = arith.constant 0 : i32
      %dma_wait3A_36 = tpu.memref_slice %arg4[%add3A_30, %dma_wait3A_35] : memref<425984x32xf32, #tpu.memory_space<hbm>> -> memref<128x32xf32, #tpu.memory_space<hbm>>
      %dma_wait3A_37 = arith.constant 0 : i32
      %dma_wait3A_38 = tpu.memref_slice %arg4[%add3A_30, %dma_wait3A_37] : memref<425984x32xf32, #tpu.memory_space<hbm>> -> memref<128x32xf32, #tpu.memory_space<hbm>>
      tpu.wait_dma2 semaphore(%run_scoped3A : memref<!tpu.dma_semaphore, #tpu.memory_space<semaphore_mem>>) src(%arg7 : memref<128x32xf32, #tpu.memory_space<vmem>>) dst(%dma_wait3A_38 : memref<128x32xf32, #tpu.memory_space<hbm>>)
      tpu.yield
    }) : () -> ()
    return
  }
}

module attributes {stable_mosaic.version = 14 : i64} {
  func.func @_compact_block(%arg0: i32, %arg1: memref<32x4096xf32, #tpu.memory_space<vmem>>, %arg2: memref<32x4096xf32, #tpu.memory_space<vmem>>, %arg3: memref<32x4096xf32, #tpu.memory_space<vmem>>, %arg4: memref<32x4096xf32, #tpu.memory_space<vmem>>, %arg5: memref<4096x128xf32, #tpu.memory_space<vmem>>) attributes {dimension_semantics = [#tpu.dimension_semantics<parallel>], iteration_bounds = array<i64: 61>, scalar_prefetch = 0 : i64, scratch_operands = 0 : i64, tpu.core_type = #tpu.core_type<tc>, window_params = [{transform_indices = @transform_0, window_bounds = array<i64: 32, 4096>}, {transform_indices = @transform_1, window_bounds = array<i64: 32, 4096>}, {transform_indices = @transform_2, window_bounds = array<i64: 32, 4096>}, {transform_indices = @transform_3, window_bounds = array<i64: 32, 4096>}, {transform_indices = @transform_4, window_bounds = array<i64: 4096, 128>}]} {
    %get3A = arith.constant 0 : index
    %get3A_0 = arith.constant 0 : index
    %get3A_1 = vector.load %arg1[%get3A, %get3A_0] : memref<32x4096xf32, #tpu.memory_space<vmem>>, vector<32x4096xf32>
    %get3A_2 = arith.constant 0 : index
    %get3A_3 = arith.constant 0 : index
    %get3A_4 = vector.load %arg2[%get3A_2, %get3A_3] : memref<32x4096xf32, #tpu.memory_space<vmem>>, vector<32x4096xf32>
    %get3A_5 = arith.constant 0 : index
    %get3A_6 = arith.constant 0 : index
    %get3A_7 = vector.load %arg3[%get3A_5, %get3A_6] : memref<32x4096xf32, #tpu.memory_space<vmem>>, vector<32x4096xf32>
    %get3A_8 = arith.constant 0 : index
    %get3A_9 = arith.constant 0 : index
    %get3A_10 = vector.load %arg4[%get3A_8, %get3A_9] : memref<32x4096xf32, #tpu.memory_space<vmem>>, vector<32x4096xf32>
    %concatenate3A = tpu.concatenate %get3A_1, %get3A_4, %get3A_7, %get3A_10 in 0 : vector<32x4096xf32>, vector<32x4096xf32>, vector<32x4096xf32>, vector<32x4096xf32> -> vector<128x4096xf32>
    %transpose3A = tpu.transpose %concatenate3A, [1, 0] : vector<128x4096xf32> -> vector<4096x128xf32>
    %swap3A = arith.constant 0 : index
    %swap3A_11 = arith.constant 0 : index
    %swap3A_12 = vector.load %arg5[%swap3A, %swap3A_11] : memref<4096x128xf32, #tpu.memory_space<vmem>>, vector<4096x128xf32>
    tpu.vector_store %arg5[%swap3A, %swap3A_11], %transpose3A {strides = array<i32>} : memref<4096x128xf32, #tpu.memory_space<vmem>>, vector<4096x128xf32>,
    return
  }
  func.func @transform_0(%arg0: i32) -> (i32, i32) {
    %mul3A = arith.constant 4 : i32
    %mul3A_0 = arith.muli %mul3A, %arg0 : i32
    %add3A = arith.constant 0 : i32
    %add3A_1 = arith.addi %mul3A_0, %add3A : i32
    %c0_i32 = arith.constant 0 : i32
    %c0_i32_2 = arith.constant 0 : i32
    return %c0_i32, %add3A_1 : i32, i32
  }
  func.func @transform_1(%arg0: i32) -> (i32, i32) {
    %mul3A = arith.constant 4 : i32
    %mul3A_0 = arith.muli %mul3A, %arg0 : i32
    %add3A = arith.constant 1 : i32
    %add3A_1 = arith.addi %mul3A_0, %add3A : i32
    %c0_i32 = arith.constant 0 : i32
    %c0_i32_2 = arith.constant 0 : i32
    return %c0_i32, %add3A_1 : i32, i32
  }
  func.func @transform_2(%arg0: i32) -> (i32, i32) {
    %mul3A = arith.constant 4 : i32
    %mul3A_0 = arith.muli %mul3A, %arg0 : i32
    %add3A = arith.constant 2 : i32
    %add3A_1 = arith.addi %mul3A_0, %add3A : i32
    %c0_i32 = arith.constant 0 : i32
    %c0_i32_2 = arith.constant 0 : i32
    return %c0_i32, %add3A_1 : i32, i32
  }
  func.func @transform_3(%arg0: i32) -> (i32, i32) {
    %mul3A = arith.constant 4 : i32
    %mul3A_0 = arith.muli %mul3A, %arg0 : i32
    %add3A = arith.constant 3 : i32
    %add3A_1 = arith.addi %mul3A_0, %add3A : i32
    %c0_i32 = arith.constant 0 : i32
    %c0_i32_2 = arith.constant 0 : i32
    return %c0_i32, %add3A_1 : i32, i32
  }
  func.func @transform_4(%arg0: i32) -> (i32, i32) {
    %c0_i32 = arith.constant 0 : i32
    %c0_i32_0 = arith.constant 0 : i32
    return %arg0, %c0_i32 : i32, i32
  }
}

module attributes {stable_mosaic.version = 14 : i64} {
  func.func @_tail_block(%arg0: i32, %arg1: memref<64x32xf32, #tpu.memory_space<vmem>>, %arg2: memref<250432x128xf32, #tpu.memory_space<any>>, %arg3: memref<64x128xf32, #tpu.memory_space<vmem>>) attributes {dimension_semantics = [#tpu.dimension_semantics<arbitrary>], iteration_bounds = array<i64: 9>, scalar_prefetch = 0 : i64, scratch_operands = 0 : i64, tpu.core_type = #tpu.core_type<tc>, window_params = [{transform_indices = @transform_0, window_bounds = array<i64: 64, 32>}, {}, {transform_indices = @transform_2, window_bounds = array<i64: 64, 128>}]} {
    %get3A = arith.constant 0 : index
    %get3A_0 = arith.constant 0 : index
    %get3A_1 = vector.load %arg1[%get3A, %get3A_0] : memref<64x32xf32, #tpu.memory_space<vmem>>, vector<64x32xf32>
    %concatenate3A = tpu.concatenate %get3A_1, %get3A_1, %get3A_1, %get3A_1 in 1 : vector<64x32xf32>, vector<64x32xf32>, vector<64x32xf32>, vector<64x32xf32> -> vector<64x128xf32>
    %swap3A = arith.constant 0 : index
    %swap3A_2 = arith.constant 0 : index
    %swap3A_3 = vector.load %arg3[%swap3A, %swap3A_2] : memref<64x128xf32, #tpu.memory_space<vmem>>, vector<64x128xf32>
    tpu.vector_store %arg3[%swap3A, %swap3A_2], %concatenate3A {strides = array<i32>} : memref<64x128xf32, #tpu.memory_space<vmem>>, vector<64x128xf32>,
    return
  }
  func.func @transform_0(%arg0: i32) -> (i32, i32) {
    %c0_i32 = arith.constant 0 : i32
    %c0_i32_0 = arith.constant 0 : i32
    return %arg0, %c0_i32 : i32, i32
  }
  func.func @transform_2(%arg0: i32) -> (i32, i32) {
    %add3A = arith.constant 3904 : i32
    %add3A_0 = arith.addi %add3A, %arg0 : i32
    %c0_i32 = arith.constant 0 : i32
    %c0_i32_1 = arith.constant 0 : i32
    return %add3A_0, %c0_i32 : i32, i32
  }
}

</mosaic_0001>

<sc_bundles>
// kernel: kernel.5.cloned.1.call-start
scs
__scs_entry_jumppad:
0x0: {  	(pc) =	sbr.rel $0x88, $3  }
0x1: {  	(tag) =	ssettag $0x0;
	lr =	simm.s32 $0x1  }
0x2: {  	[smem:$0x3F9F] =	sst lr;
	_ =	strace $0xD0000000  }
0x3: {  	_ = 	snop  }
0x4: {  	_ = 	snop  }
0x5: {  	_ = 	snop  }
0x6: {  	_ = 	snop  }
0x7: {  	_ = 	snop  }
__scs_overlays_trampoline_lowered:
0x8: {  	[smem:$0x3FAE] =	sst s0  }
0x9: {  	[smem:$0x3FAF] =	sst s1  }
0xa: {  	[smem:$0x3FB0] =	sst s2  }
0xb: {  	[smem:$0x3FB1] =	sst s3  }
0xc: {  	[smem:$0x3FB2] =	sst s4  }
0xd: {  	[smem:$0x3FB3] =	sst s5  }
0xe: {  	[smem:$0x3FB4] =	sst s6  }
0xf: {  	[smem:$0x3FB5] =	sst s7  }
0x10: {  	[smem:$0x3FB6] =	sst s8  }
0x11: {  	[smem:$0x3FB7] =	sst s9;
	s0 =	simm.s32 @!p0 $0x0  }
0x12: {  	s1 =	sld [smem:$0x3F9D];
	s0 =	simm.s32 @p0 $0x1  }
0x13: {  	[smem:$0x3FB8] =	sst s0;
	s0 =	simm.s32 @!p1 $0x0  }
0x14: {  	s2 =	sld [smem:$0x3F9C];
	s0 =	simm.s32 @p1 $0x1  }
0x15: {  	[smem:$0x3FB9] =	sst s0;
	s0 =	simm.s32 @!p2 $0x0  }
0x16: {  	s3 =	sld [smem:$0x3FDB];
	s0 =	simm.s32 @p2 $0x1  }
0x17: {  	s4 =	simm.s32 $0x1BF5;
	[smem:$0x3FBB] =	sst s0  }
0x18: {  	s0 =	sld [smem:$0x3F9E];
	_ =	swait.ge [sflag:s4], $0x0  }
0x19: {  	s7 =	sld [smem:$0x3F9F]  }
0x1a: {  	s8 =	sadd.s32 $0xFFFFE003, lr  }
0x1b: {  	s9 =	sadd.s32 $0xFFFFFEF7, lr;
	s5 =	simm.s32 $0xFFFFFFFF;
	p2 =	slt.u32 s8, $0xFFFFF086  }
0x1c: {  	p1 =	slt.u32 s9, $0xF7A;
	s5 =	simm.s32 @!p2 $0x0  }
0x1d: {  	s5 =	simm.s32 @p1 $0x1;
	p0 =	seq.s32 s7, s2  }
0x1e: {  	s7 =	smul.u32 @!p0 $0xF7A, s2;
	p2 =	seq.s32 @!p0 s5, $0x0  }
0x1f: {  	s9 =	smul.u32 $0xF7A, s1;
	s8 =	simm.s32 @!p0 $0x1BF5;
	p2 =	por !p2, p0  }
0x20: {  	[sflag:s8] =	ssyncset.s32 @!p0 $0xFFFFF086;
	s6 =	sadd.s32 @!p0 s3, s7;
	s7 =	simm.s32 @!p0 $0x108  }
0x21: {  	s3 =	sadd.s32 s3, s9;
	s6 =	sadd.s32 @!p0 $0x88, s6;
	s7 =	simm.s32 @p2 $0x1082  }
0x22: {  	[simem:s7], [sflag:s8] =	dma.local @!p0 [hbm:s6], $0xF7A  }
0x23: {  	s9 =	sor.u32 $0xD0000000, s2;
	s6 =	simm.s32 $0x108;
	_ =	swait.ge @!p0 [sflag:s8], $0x0  }
0x24: {  	s3 =	sadd.s32 $0x88, s3;
	s6 =	simm.s32 @!p1 $0x1082;
	[sflag:s4] =	ssyncset.s32 $0xFFFFF086  }
0x25: {  	[simem:s6], [sflag:s4] =	dma.local [hbm:s3], $0xF7A  }
0x26: {  	[smem:$0x3F9F] =	sst s1;
	(tag) =	ssettag s2;
	_ =	strace s9  }
0x27: {  	s1 =	sld [smem:$0x3FAF]  }
0x28: {  	s2 =	sld [smem:$0x3FB0]  }
0x29: {  	s4 =	sld [smem:$0x3FB2]  }
0x2a: {  	p0 =	seq.s32 s5, $0x0;
	s5 =	sld [smem:$0x3FB3]  }
0x2b: {  	s6 =	sld [smem:$0x3FB4]  }
0x2c: {  	s7 =	sld [smem:$0x3FB5]  }
0x2d: {  	s3 =	simm.s32 $0x108;
	s8 =	sld [smem:$0x3FB6]  }
0x2e: {  	s3 =	simm.s32 @!p0 $0x1082;
	s9 =	sld [smem:$0x3FB7]  }
0x2f: {  	lr =	sadd.s32 s0, s3;
	s0 =	sld [smem:$0x3FAE]  }
0x30: {  	s3 =	sld [smem:$0x3FB1]  }
0x31: {  	[smem:$0x3FBA] =	sst s10  }
0x32: {  	s10 =	sld [smem:$0x3FB8];
	_ =	sdelay $0x3  }
0x33: {  	p0 =	seq.s32 s10, $0x1;
	s10 =	sld [smem:$0x3FBA];
	_ =	sdelay $0x3  }
0x34: {  	[smem:$0x3FBA] =	sst s10  }
0x35: {  	s10 =	sld [smem:$0x3FB9];
	_ =	sdelay $0x3  }
0x36: {  	p1 =	seq.s32 s10, $0x1;
	s10 =	sld [smem:$0x3FBA];
	_ =	sdelay $0x3  }
0x37: {  	[smem:$0x3FBA] =	sst s10  }
0x38: {  	s10 =	sld [smem:$0x3FBB]  }
0x39: {  	_ = 	snop;
	(pc) =	sbr.ind lr, $3  }
0x3a: {  	_ = 	snop  }
0x3b: {  	_ = 	snop  }
0x3c: {  	p2 =	seq.s32 s10, $0x1;
	s10 =	sld [smem:$0x3FBA]  }
0x3d: {  	_ =	shalt  }
0x3e: {  	_ =	shalt  }
0x3f: {  	_ =	shalt  }
0x40: {  	_ =	shalt  }
0x41: {  	_ =	shalt  }
0x42: {  	_ =	shalt  }
0x43: {  	_ =	shalt  }
0x44: {  	_ =	shalt  }
0x45: {  	_ =	shalt  }
0x46: {  	_ =	shalt  }
0x47: {  	_ =	shalt  }
0x48: {  	_ =	shalt  }
0x49: {  	_ =	shalt  }
0x4a: {  	_ =	shalt  }
0x4b: {  	_ =	shalt  }
0x4c: {  	_ =	shalt  }
0x4d: {  	_ =	shalt  }
0x4e: {  	_ =	shalt  }
0x4f: {  	_ =	shalt  }
0x50: {  	_ =	shalt  }
0x51: {  	_ =	shalt  }
0x52: {  	_ =	shalt  }
0x53: {  	_ =	shalt  }
0x54: {  	_ =	shalt  }
0x55: {  	_ =	shalt  }
0x56: {  	_ =	shalt  }
0x57: {  	_ =	shalt  }
0x58: {  	_ =	shalt  }
0x59: {  	_ =	shalt  }
0x5a: {  	_ =	shalt  }
0x5b: {  	_ =	shalt  }
0x5c: {  	_ =	shalt  }
0x5d: {  	_ =	shalt  }
0x5e: {  	_ =	shalt  }
0x5f: {  	_ =	shalt  }
0x60: {  	_ =	shalt  }
0x61: {  	_ =	shalt  }
0x62: {  	_ =	shalt  }
0x63: {  	_ =	shalt  }
0x64: {  	_ =	shalt  }
0x65: {  	_ =	shalt  }
0x66: {  	_ =	shalt  }
0x67: {  	_ =	shalt  }
0x68: {  	_ =	shalt  }
0x69: {  	_ =	shalt  }
0x6a: {  	_ =	shalt  }
0x6b: {  	_ =	shalt  }
0x6c: {  	_ =	shalt  }
0x6d: {  	_ =	shalt  }
0x6e: {  	_ =	shalt  }
0x6f: {  	_ =	shalt  }
0x70: {  	_ =	shalt  }
0x71: {  	_ =	shalt  }
0x72: {  	_ =	shalt  }
0x73: {  	_ =	shalt  }
0x74: {  	_ =	shalt  }
0x75: {  	_ =	shalt  }
0x76: {  	_ =	shalt  }
0x77: {  	_ =	shalt  }
0x78: {  	_ =	shalt  }
0x79: {  	_ =	shalt  }
0x7a: {  	_ =	shalt  }
0x7b: {  	_ =	shalt  }
0x7c: {  	_ =	shalt  }
0x7d: {  	_ =	shalt  }
0x7e: {  	_ =	shalt  }
0x7f: {  	_ =	shalt  }
0x80: {  	_ =	shalt  }
0x81: {  	_ =	shalt  }
0x82: {  	_ =	shalt  }
0x83: {  	_ =	shalt  }
0x84: {  	_ =	shalt  }
0x85: {  	_ =	shalt  }
0x86: {  	_ =	shalt  }
0x87: {  	_ =	shalt  }
.Lfunc_end0:
.L_simem_size_0:
called_computation.1_lowered:
.L_overlay_start_0:
0x88: {  	s2 =	sld [smem:$0x3FD9]  }
0x89: {  	s3 =	sld [smem:$0x3FFE];
	_ =	sdelay $0x1  }
0x8a: {  	s1 =	srdreg.scid  }
0x8b: {  	s0 =	sand.u32 $0x1, s1  }
0x8c: {  	s17 =	sshll.u32 s0, $0xA;
	s2 =	sadd.s32 s3, s2  }
0x8d: {  	s2 =	sadd.s32 s2, s17  }
0x8e: {  	[smem:$0x3FC6] =	sst s2  }
0x8f: {  	_ = 	snop  }
0x90: {  	s2 =	sld [smem:$0x3FD0];
	(tm) =	ssettm $0x1  }
0x91: {  	s18 =	sld [smem:$0x3FFB];
	_ =	sdelay $0x3  }
0x92: {  	_ =	strace s18  }
0x93: {  	s3 =	sld [smem:$0x3FFC];
	_ =	sdelay $0x3  }
0x94: {  	_ =	strace s3  }
0x95: {  	s3 =	sld [smem:$0x3FFD];
	_ =	sdelay $0x3  }
0x96: {  	_ =	strace s3  }
0x97: {  	_ =	strace $0x8FFFFFFF  }
0x98: {  	s19 =	sld [smem:$0x3FDB];
	_ =	sdelay $0x1  }
0x99: {  	s4 =	simm.s32 $_scs_section_size  }
0x9a: {  	s5 =	simm.s32 $_size__tile_overlayer_lowered;
	s6 =	simm.s32 $_tile_overlayer_lowered  }
0x9b: {  	s22 =	simm.s32 $0x1BFF;
	s21 =	sshll.u32 s6, $0x1;
	s3 =	sadd.s32 s4, s19  }
0x9c: {  	s7 =	simm.s32 $0x0;
	s20 =	sshll.u32 s5, $0x1;
	s5 =	sadd.s32 s21, s3  }
0x9d: {  	[timem:s7], [sflag:s22] =	dma.local [hbm:s5], s20  }
0x9e: {  	_ =	swait.ge [sflag:s22], s20  }
0x9f: {  	s4 =	ssub.s32 $0x0, s20;
	[sflag:s22] =	ssyncset.done $0x0  }
0xa0: {  	[sflag:s22] =	ssyncadd.s32 s4;
	_ =	sdelay $0x1  }
0xa1: {  	s23 =	simm.s32 $0x1B8B  }
0xa2: {  	_ =	swait.ge [sflag:s23], $0x1  }
0xa3: {  	[sflag:s23] =	ssyncset.done $0x0  }
0xa4: {  	s25 =	simm.s32 $0x1B8E;
	s24 =	sld [smem:$0x3FFE];
	[sflag:s23] =	ssyncadd.s32 $0xFFFFFFFF  }
0xa5: {  	s26 =	simm.s32 $execute0_lowered;
	[smem:$0x3FD2] =	sst s25  }
0xa6: {  	s5 =	sshll.u32 s26, $0x1;
	_ =	strace $0x80000046;
	[dreg:$0x1] =	wrdreg $0xFFFFFFFF  }
0xa7: {  	s28 =	simm.s32 $_size_execute0_lowered;
	s3 =	sadd.s32 s3, s5;
	[dreg:$0x0] =	wrdreg $0x0  }
0xa8: {  	s5 =	sshll.u32 s28, $0x1;
	[dreg:$0x2] =	wrdreg s3  }
0xa9: {  	[dreg:$0x3] =	wrdreg s5  }
0xaa: {  	[dreg:$0x4] =	wrdreg $0xC0  }
0xab: {  	_ =	task [dreg:s7], $0x5FFFF  }
0xac: {  	[dreg:$0x1] =	wrdreg $0xFFFFFFFF  }
0xad: {  	[dreg:$0x0] =	wrdreg $0x60  }
0xae: {  	[dreg:$0x2] =	wrdreg s24  }
0xaf: {  	[dreg:$0x3] =	wrdreg s2  }
0xb0: {  	[dreg:$0x4] =	wrdreg $0x9  }
0xb1: {  	_ =	task.clear_ibuf [dreg:s7], $0x5FFFF;
	_ =	strace $0x90000046  }
0xb2: {  	s29 =	simm.s32 $0x9;
	_ =	strace $0x80000048  }
0xb3: {  	_ =	swait.ge [sflag:s29], $0x1  }
0xb4: {  	[sflag:s29] =	ssyncadd.s32 $0xFFFFFFFF  }
0xb5: {  	_ =	strace $0x90000048  }
0xb6: {  	_ =	sfence  }
0xb7: {  	s30 =	sld [smem:$0x0];
	_ =	sdelay $0x2  }
0xb8: {  	s31 =	sshll.u32 s1, $0xD;
	s1 =	sshrl.u32 s1, $0x2  }
0xb9: {  	s3 =	sand.u32 $0x4000, s31;
	s1 =	sadd.s32 s1, s30  }
0xba: {  	s0 =	sor.u32 s3, s0;
	s1 =	sshll.u32 s1, $0x11  }
0xbb: {  	s0 =	sor.u32 s1, s0  }
0xbc: {  	s0 =	sadd.s32 $0x8F2B, s0  }
0xbd: {  	[sflag:s0] =	ssyncadd.remote.s32 $0x1  }
0xbe: {  	_ =	sfence.sel $0xFFFF  }
0xbf: {  	[dreg:$0x0] =	wrdreg $0xFFFFFFFF;
	(pc) =	sbr.abs _section_cstart, $3  }
0xc0: {  	[dreg:$0x1] =	wrdreg $0xFFFFFFFF  }
0xc1: {  	_ =	task.clear_ibuf [dreg:s7], $0x2FFFF;
	_ =	strace $0x9FFFFFFF  }
0xc2: {  	(tm) =	ssettm $0x7FFFFFFF  }
0xc3: {  	_ =	shalt  }
tec
execute0_lowered:
.L_overlay_start_1:
0x0: {  	(tag) =	ssettag $0x1  }
0x1: {  	s4 =	rddreg [dreg:$0x0];
	s1 =	srdreg.scid  }
0x2: {  	s0 =	stileid.u32;
	s8 =	rddreg [dreg:$0x1];
	s2 =	simm.s32 $0x0  }
0x3: {  	s14 =	simm.s32 $0x1;
	s15 =	simm.s32 $0x2;
	s9 =	smul.u32 $0xD0000, s0  }
0x4: {  	s16 =	simm.s32 $0x0;
	s6 =	sand.u32 $0x1, s1;
	s12 =	smul.u32 $0x1A000, s0  }
0x5: {  	s3 =	sshll.u32 s0, $0x1;
	s1 =	rddreg [dreg:$0x2];
	s11 =	smul.u32 $0x68000, s6  }
0x6: {  	[smem:$0x7FF] =	sst s2;
	s5 =	sor.u32 s6, s3;
	s13 =	smul.u32 $0xD000, s6  }
0x7: {  	_ =	strace $0x80000047;
	s29 =	ssub.s32 $0x2, s6;
	s7 =	smul.u32 $0x680, s5  }
0x8: {  	s3 =	sadd.s32 $0xDA00, s4;
	s5 =	smul.u32 $0x68000, s5;
	s10 =	sshrl.u32 s29, $0x1  }
0x9: {  	s31 =	sadd.s32 s12, s8;
	s12 =	simm.s32 $0x3400;
	s9 =	sadd.s32 s11, s9  }
0xa: {  	s11 =	simm.s32 $0x80;
	s4 =	sadd.s32 s7, s4;
	s5 =	sshrl.u32 s5, $0x3  }
0xb: {  	s7 =	ssub.s32 s29, s10;
	s9 =	sshrl.u32 s9, $0x3;
	s10 =	sadd.s32 s13, s31  }
0xc: {  	s13 =	simm.s32 $0x4400;
	s30 =	sadd.s32 s8, s5;
	s4 =	sadd.s32 $0xA00, s4  }
0xd: {  	s7 =	smax.u32 s7, $0x1;
	s8 =	sadd.s32 s9, s8;
	s9 =	sadd.s32 $0x200, s10  }
0xe: {  	s10 =	simm.s32 $0x3;
	s5 =	sadd.s32 $0xCC00, s30;
	s6 =	sadd.s32 $0xCE00, s30  }
.LBB2_1:
0xf: {  	[tilespmem:s2], [sflag:$0x3] =	stream.linear.gather [hbm4b:s4+s2], $0x3400, $0x38;
	[tilespmem:$0x5400] =	vst v63  }
0x10: {  	_ =	swait.ge [sflag:s10], $0x3400  }
0x11: {  	[sflag:s10] =	ssyncset.done $0x0  }
0x12: {  	[sflag:s10] =	ssyncadd.s32 $0xFFFFCC00  }
0x13: {  	[tilespmem:s12], [sflag:$0x1] =	stream.indirect.gather [hbm4b:s3+s11], $0x20, s2, s11, $0xb8;
	[tilespmem:$0x5400] =	vst v63  }
0x14: {  	_ = 	snop  }
0x15: {  	[tilespmem:s13], [sflag:$0x2] =	stream.indirect.gather [hbm4b:s3+s11], $0x20, s11, s11, $0xb8;
	[tilespmem:$0x5400] =	vst v63  }
0x16: {  	_ =	swait.ge [sflag:s14], $0x1000  }
0x17: {  	[sflag:s14] =	ssyncset.done $0x0  }
0x18: {  	s17 =	sadd.s32 $0x0, s8;
	[sflag:s14] =	ssyncadd.s32 $0xFFFFF000  }
0x19: {  	[hbm4b:s17+s2] =	stream.linear.scatter [tilespmem:s12], [sflag:$0x3], $0x1000, $0x38;
	[tilespmem:$0x5400] =	vst v63  }
0x1a: {  	_ =	swait.ge [sflag:s10], $0x1000  }
0x1b: {  	[sflag:s10] =	ssyncset.done $0x0  }
0x1c: {  	s30 =	simm.s32 $0x100;
	[sflag:s10] =	ssyncadd.s32 $0xFFFFF000  }
0x1d: {  	[tilespmem:s12], [sflag:$0x1] =	stream.indirect.gather [hbm4b:s3+s11], $0x20, s30, s11, $0xb8;
	[tilespmem:$0x5400] =	vst v63  }
0x1e: {  	_ =	swait.ge [sflag:s15], $0x1000  }
0x1f: {  	[sflag:s15] =	ssyncset.done $0x0  }
0x20: {  	s31 =	sadd.s32 $0x0, s9;
	[sflag:s15] =	ssyncadd.s32 $0xFFFFF000  }
0x21: {  	[hbm4b:s31+s2] =	stream.linear.scatter [tilespmem:s13], [sflag:$0x3], $0x1000, $0x38;
	[tilespmem:$0x5400] =	vst v63  }
0x22: {  	_ =	swait.ge [sflag:s10], $0x1000  }
0x23: {  	[sflag:s10] =	ssyncset.done $0x0  }
0x24: {  	s18 =	simm.s32 $0x180;
	s17 =	simm.s32 $0x400;
	[sflag:s10] =	ssyncadd.s32 $0xFFFFF000  }
.LBB2_2:
0x25: {  	[tilespmem:s13], [sflag:$0x2] =	stream.indirect.gather [hbm4b:s3+s11], $0x20, s18, s11, $0xb8;
	[tilespmem:$0x5400] =	vst v63  }
0x26: {  	s18 =	smov.u32 s17  }
0x27: {  	p0 =	sne.s32 s17, $0xC800;
	s17 =	sadd.s32 $0x400, s17;
	_ =	swait.ge [sflag:s14], $0x1000  }
0x28: {  	[sflag:s14] =	ssyncset.done $0x0  }
0x29: {  	s19 =	sadd.s32 s18, s8;
	[sflag:s14] =	ssyncadd.s32 $0xFFFFF000  }
0x2a: {  	[hbm4b:s19+s2] =	stream.linear.scatter [tilespmem:s12], [sflag:$0x3], $0x1000, $0x38;
	[tilespmem:$0x5400] =	vst v63  }
0x2b: {  	_ =	swait.ge [sflag:s10], $0x1000  }
0x2c: {  	s19 =	sshra.s32 s18, $0x2;
	[sflag:s10] =	ssyncset.done $0x0  }
0x2d: {  	s20 =	sadd.s32 $0x100, s19;
	[sflag:s10] =	ssyncadd.s32 $0xFFFFF000  }
0x2e: {  	[tilespmem:s12], [sflag:$0x1] =	stream.indirect.gather [hbm4b:s3+s11], $0x20, s20, s11, $0xb8;
	[tilespmem:$0x5400] =	vst v63  }
0x2f: {  	_ =	swait.ge [sflag:s15], $0x1000  }
0x30: {  	[sflag:s15] =	ssyncset.done $0x0  }
.Ltmp0:
0x31: {  	s18 =	sadd.s32 s18, s9;
	[sflag:s15] =	ssyncadd.s32 $0xFFFFF000;
	(pc) =	sbr.rel @p0 .LBB2_2-.Ltmp0, $4  }
0x32: {  	[hbm4b:s18+s2] =	stream.linear.scatter [tilespmem:s13], [sflag:$0x3], $0x1000, $0x38;
	[tilespmem:$0x5400] =	vst v63  }
0x33: {  	_ =	swait.ge [sflag:s10], $0x1000  }
0x34: {  	[sflag:s10] =	ssyncset.done $0x0  }
0x35: {  	s18 =	sadd.s32 $0x180, s19;
	[sflag:s10] =	ssyncadd.s32 $0xFFFFF000  }
0x36: {  	[tilespmem:s13], [sflag:$0x2] =	stream.indirect.gather [hbm4b:s3+s11], $0x20, s18, s11, $0xb8;
	[tilespmem:$0x5400] =	vst v63  }
0x37: {  	_ =	swait.ge [sflag:s14], $0x1000  }
0x38: {  	[sflag:s14] =	ssyncset.done $0x0  }
0x39: {  	[sflag:s14] =	ssyncadd.s32 $0xFFFFF000  }
0x3a: {  	[hbm4b:s5+s2] =	stream.linear.scatter [tilespmem:s12], [sflag:$0x3], $0x1000, $0x38;
	[tilespmem:$0x5400] =	vst v63  }
0x3b: {  	_ =	swait.ge [sflag:s10], $0x1000  }
0x3c: {  	[sflag:s10] =	ssyncset.done $0x0  }
0x3d: {  	[sflag:s10] =	ssyncadd.s32 $0xFFFFF000  }
0x3e: {  	s16 =	sadd.s32 $0x1, s16;
	_ =	swait.ge [sflag:s15], $0x1000  }
0x3f: {  	p0 =	sne.s32 s16, s7;
	[sflag:s15] =	ssyncset.done $0x0  }
.Ltmp1:
0x40: {  	[sflag:s15] =	ssyncadd.s32 $0xFFFFF000;
	(pc) =	sbr.rel @p0 .LBB2_1-.Ltmp1, $4  }
0x41: {  	[hbm4b:s6+s2] =	stream.linear.scatter [tilespmem:s13], [sflag:$0x3], $0x1000, $0x38;
	[tilespmem:$0x5400] =	vst v63  }
0x42: {  	_ =	swait.ge [sflag:s10], $0x1000  }
0x43: {  	[sflag:s10] =	ssyncset.done $0x0  }
0x44: {  	[sflag:s10] =	ssyncadd.s32 $0xFFFFF000  }
0x45: {  	_ =	sfence.sel $0x180000  }
0x46: {  	[bflag:$0x0] =	sbarrier.arrive $0xFFFF  }
0x47: {  	p0 =	sne.s32 s0, $0x0;
	_ =	strace $0x90000047  }
0x48: {  	s0 =	sadd.s32 @!p0 $0x100000, s1;
	[bflag:$0x2] =	sbarrier.arrive $0xFFFF  }
0x49: {  	[sflag:s0] =	ssyncadd.tile.s32 @!p0 $0x1;
	_ =	shalt  }
.Lfunc_end2:
_tile_overlayer_lowered:
.L_overlay_start_2:
0x4a: {  	(tag) =	ssettag $0x2  }
0x4b: {  	s0 =	rddreg [dreg:$0x0];
	s2 =	stileid.u32  }
0x4c: {  	s1 =	rddreg [dreg:$0x1];
	p0 =	sne.s32 s2, $0x0  }
0x4d: {  	s3 =	rddreg [dreg:$0x2];
	[bflag:$0x3] =	sbarrier.arrive $0xFFFF;
	s2 =	simm.s32 @!p0 $0x1C03  }
0x4e: {  	[timem:s3], [sflag:s2] =	dma.local @!p0 [hbm:s0], s1  }
0x4f: {  	s0 =	simm.s32 @!p0 $0x3  }
0x50: {  	_ =	swait.ge @!p0 [sflag:s0], s1  }
0x51: {  	s1 =	ssub.s32 @!p0 $0x0, s1;
	[sflag:s0] =	ssyncset.done @!p0 $0x0  }
0x52: {  	[sflag:s0] =	ssyncadd.s32 @!p0 s1  }
0x53: {  	[bflag:$0x3] =	sbarrier.arrive $0xFFFF  }
0x54: {  	_ =	shalt  }

// kernel: sparse-core-data-format-call.cloned.1.call-start
scs
called_computation_lowered:
.L_overlay_start_0:
0x0: {  	s2 =	sld [smem:$0x3FD9]  }
0x1: {  	s3 =	sld [smem:$0x3FFE];
	_ =	sdelay $0x1  }
0x2: {  	s1 =	srdreg.scid  }
0x3: {  	s0 =	sand.u32 $0x1, s1  }
0x4: {  	s18 =	sshll.u32 s0, $0xA;
	s2 =	sadd.s32 s3, s2  }
0x5: {  	s2 =	sadd.s32 s2, s18  }
0x6: {  	[smem:$0x3FC6] =	sst s2  }
0x7: {  	_ = 	snop  }
0x8: {  	s2 =	sld [smem:$0x3FD0];
	(tm) =	ssettm $0x1  }
0x9: {  	s19 =	sld [smem:$0x3FFB];
	_ =	sdelay $0x3  }
0xa: {  	_ =	strace s19  }
0xb: {  	s3 =	sld [smem:$0x3FFC];
	_ =	sdelay $0x3  }
0xc: {  	_ =	strace s3  }
0xd: {  	s3 =	sld [smem:$0x3FFD];
	_ =	sdelay $0x3  }
0xe: {  	_ =	strace s3  }
0xf: {  	_ =	strace $0x8FFFFFFF  }
0x10: {  	s20 =	sld [smem:$0x3FDB];
	_ =	sdelay $0x1  }
0x11: {  	s4 =	simm.s32 $_scs_section_size  }
0x12: {  	s5 =	simm.s32 $_size__tile_overlayer_lowered;
	s6 =	simm.s32 $_tile_overlayer_lowered  }
0x13: {  	s23 =	simm.s32 $0x1BFF;
	s22 =	sshll.u32 s6, $0x1;
	s3 =	sadd.s32 s4, s20  }
0x14: {  	s7 =	simm.s32 $0x0;
	s21 =	sshll.u32 s5, $0x1;
	s5 =	sadd.s32 s22, s3  }
0x15: {  	[timem:s7], [sflag:s23] =	dma.local [hbm:s5], s21  }
0x16: {  	_ =	swait.ge [sflag:s23], s21  }
0x17: {  	s4 =	ssub.s32 $0x0, s21;
	[sflag:s23] =	ssyncset.done $0x0  }
0x18: {  	[sflag:s23] =	ssyncadd.s32 s4;
	_ =	sdelay $0x1  }
0x19: {  	s24 =	simm.s32 $0x1B8B  }
0x1a: {  	_ =	swait.ge [sflag:s24], $0x1  }
0x1b: {  	[sflag:s24] =	ssyncset.done $0x0  }
0x1c: {  	s26 =	simm.s32 $0x1B8E;
	s25 =	sld [smem:$0x3FFE];
	[sflag:s24] =	ssyncadd.s32 $0xFFFFFFFF  }
0x1d: {  	s27 =	simm.s32 $execute0_lowered;
	[smem:$0x3FD2] =	sst s26  }
0x1e: {  	s5 =	sshll.u32 s27, $0x1;
	_ =	strace $0x80000049;
	[dreg:$0x1] =	wrdreg $0xFFFFFFFF  }
0x1f: {  	s28 =	simm.s32 $_size_execute0_lowered;
	s3 =	sadd.s32 s3, s5;
	[dreg:$0x0] =	wrdreg $0x0  }
0x20: {  	s5 =	sshll.u32 s28, $0x1;
	[dreg:$0x2] =	wrdreg s3  }
0x21: {  	[dreg:$0x3] =	wrdreg s5  }
0x22: {  	[dreg:$0x4] =	wrdreg $0xC0  }
0x23: {  	_ =	task [dreg:s7], $0x5FFFF  }
0x24: {  	[dreg:$0x1] =	wrdreg $0xFFFFFFFF  }
0x25: {  	[dreg:$0x0] =	wrdreg $0x60  }
0x26: {  	[dreg:$0x2] =	wrdreg s25  }
0x27: {  	[dreg:$0x3] =	wrdreg s2  }
0x28: {  	[dreg:$0x4] =	wrdreg $0x9  }
0x29: {  	_ =	task.clear_ibuf [dreg:s7], $0x5FFFF;
	_ =	strace $0x90000049  }
0x2a: {  	s29 =	simm.s32 $0x9;
	_ =	strace $0x8000004B  }
0x2b: {  	_ =	swait.ge [sflag:s29], $0x1  }
0x2c: {  	[sflag:s29] =	ssyncadd.s32 $0xFFFFFFFF  }
0x2d: {  	_ =	strace $0x9000004B  }
0x2e: {  	_ =	sfence  }
0x2f: {  	s30 =	sld [smem:$0x0];
	_ =	sdelay $0x2  }
0x30: {  	s31 =	sshll.u32 s1, $0xD;
	s1 =	sshrl.u32 s1, $0x2  }
0x31: {  	s3 =	sand.u32 $0x4000, s31;
	s1 =	sadd.s32 s1, s30  }
0x32: {  	s0 =	sor.u32 s3, s0;
	s1 =	sshll.u32 s1, $0x11  }
0x33: {  	s0 =	sor.u32 s1, s0  }
0x34: {  	s0 =	sadd.s32 $0x8F2B, s0  }
0x35: {  	[sflag:s0] =	ssyncadd.remote.s32 $0x1  }
0x36: {  	_ =	sfence.sel $0xFFFF  }
0x37: {  	[dreg:$0x0] =	wrdreg $0xFFFFFFFF;
	(pc) =	sbr.abs _section_cstart, $3  }
0x38: {  	[dreg:$0x1] =	wrdreg $0xFFFFFFFF  }
0x39: {  	_ =	task.clear_ibuf [dreg:s7], $0x2FFFF;
	_ =	strace $0x9FFFFFFF  }
0x3a: {  	(tm) =	ssettm $0x7FFFFFFF  }
0x3b: {  	_ =	shalt  }
tec
execute0_lowered:
.L_overlay_start_1:
0x0: {  	(tag) =	ssettag $0x1  }
0x1: {  	s0 =	srdreg.scid  }
0x2: {  	s1 =	sshll.u32 s0, $0x4  }
0x3: {  	s0 =	stileid.u32;
	s1 =	sand.u32 $0x10, s1  }
0x4: {  	s7 =	rddreg [dreg:$0x0];
	s1 =	sor.u32 s0, s1  }
0x5: {  	s4 =	simm.s32 $0x1;
	s8 =	simm.s32 $0x2;
	s2 =	sshll.u32 s1, $0x7  }
0x6: {  	s13 =	simm.s32 $0x0;
	s9 =	simm.s32 $0x20000;
	s1 =	ssub.s32 $0x4000, s2  }
0x7: {  	s14 =	simm.s32 $0x0;
	s11 =	simm.s32 $0x0;
	s3 =	sand.u32 $0xF80, s1  }
0x8: {  	s12 =	simm.s32 $0x0;
	s5 =	sshrl.u32 s1, $0xC;
	p0 =	sne.s32 s3, $0x0  }
.Ltmp0:
0x9: {  	s1 =	rddreg [dreg:$0x2];
	s4 =	simm.s32 @!p0 $0x0;
	(pc) =	sbr.rel .LBB1_1-.Ltmp0, $4  }
0xa: {  	s6 =	sadd.s32 $0xA00, s7;
	s3 =	rddreg [dreg:$0x1];
	s5 =	sadd.s32 s4, s5  }
0xb: {  	_ =	strace $0x8000004A;
	s4 =	simm.s32 $0x1;
	s5 =	smul.u32 $0xD, s5  }
0xc: {  	s7 =	sadd.s32 $0x40A00, s7;
	s10 =	smov.u32 s2;
	[sflag:s4] =	ssyncpa.u1 $0x0  }
0xd: {  	p0 =	por $0x0, $0x0;
	[sflag:s8] =	ssyncpa.u1 $0x0;
	s8 =	sadd.s32 $0x1, s5  }
.LBB1_7:
0xe: {  	s15 =	sadd.s32 $0x1000, s10  }
0xf: {  	s13 =	sadd.s32 $0x2, s11;
	s17 =	smov.u32 s11;
	p2 =	sgt.s32 s15, $0x3FFF  }
0x10: {  	s17 =	smov.u32 @p2 s13  }
0x11: {  	s15 =	smov.u32 @p2 s2;
	p2 =	sgt.s32 s17, $0x19  }
0x12: {  	s17 =	simm.s32 @p2 $0x0;
	p2 =	sne.s32 s12, s8  }
.Ltmp1:
0x13: {  	p1 =	slt.u32 s12, $0x2;
	(pc) =	sbr.rel @!p2 .LBB1_8-.Ltmp1, $4  }
0x14: {  	s16 =	simm.s32 @!p1 $0x2  }
0x15: {  	s14 =	smov.u32 s11;
	p0 =	por !p0, !p0;
	_ =	swait.ge @!p1 [sflag:s16], $0x2000  }
0x16: {  	s13 =	smov.u32 s10;
	[sflag:s16] =	ssyncset.done @!p1 $0x0;
	s10 =	smov.u32 s15  }
0x17: {  	s12 =	sadd.s32 $0x1, s12;
	[sflag:s16] =	ssyncadd.s32 @!p1 $0xFFFFE000;
	s11 =	smov.u32 s17  }
.LBB1_1:
0x18: {  	p1 =	sge.u32 s12, s5  }
0x19: {  	s15 =	sxor.u32 @!p1 $0xFFFFFFFF, s12;
	s16 =	sshll.u32 @!p1 s11, $0x12  }
0x1a: {  	s17 =	sshll.u32 @!p1 s10, $0x4;
	s19 =	simm.s32 @!p1 $0x20;
	s20 =	simm.s32 @!p1 $0x80  }
0x1b: {  	s15 =	sshll.u32 @!p1 s15, $0xD;
	s17 =	sand.u32 @!p1 $0x3FFF0, s17;
	s18 =	sadd.s32 @!p1 s6, s16  }
0x1c: {  	s16 =	sadd.s32 @!p1 s16, s7;
	s15 =	sand.u32 @!p1 $0x2000, s15;
	s18 =	sadd.s32 @!p1 s17, s18  }
0x1d: {  	[tilespmem:s15], [sflag:$0x1] =	stream.strided.gather @!p1 [hbm4b:s18+s19], $0x1000, s20, s19, $0x38;
	[tilespmem:$0x8080] =	vst v63  }
0x1e: {  	s31 =	sadd.s32 $0xFFFFFFFF, s12;
	s16 =	sadd.s32 @!p1 s17, s16;
	s15 =	sor.u32 @!p1 $0x1000, s15  }
0x1f: {  	[tilespmem:s15], [sflag:$0x1] =	stream.strided.gather @!p1 [hbm4b:s16+s19], $0x1000, s20, s19, $0x38;
	[tilespmem:$0x8080] =	vst v63  }
0x20: {  	p1 =	sge.u32 s31, s5  }
.Ltmp2:
0x21: {  	_ = 	snop;
	(pc) =	sbr.rel @p1 .LBB1_7-.Ltmp2, $1  }
0x22: {  	_ =	sdelay $0x3  }
0x23: {  	s15 =	simm.s32 $0x1;
	s17 =	sand.u32 $0x1, s12  }
0x24: {  	_ =	swait.ge [sflag:s4], $0x2000;
	s15 =	simm.s32 @!p0 $0x0;
	s17 =	smul.u32 $0x8100, s17  }
0x25: {  	p2 =	por $0x1, $0x1;
	[sflag:s4] =	ssyncset.done $0x0;
	s16 =	smul.u32 $0x8100, s15  }
0x26: {  	s18 =	sshll.u32 s15, $0xF;
	[sflag:s4] =	ssyncadd.s32 $0xFFFFE000;
	s30 =	sshrl.u32 s17, $0x2  }
0x27: {  	s31 =	sshrl.u32 s18, $0x2;
	s18 =	simm.s32 $0x0;
	s16 =	sshrl.u32 s16, $0x2  }
0x28: {  	s15 =	sor.u32 $0x4000, s30;
	s17 =	sadd.s32 $0x10, s31;
	s16 =	sor.u32 $0x4000, s16  }
.LBB1_3:
0x29: {  	s19 =	sshll.u32 s18, $0xC  }
0x2a: {  	s19 =	sand.u32 $0x3FFFF000, s19  }
0x2b: {  	s20 =	sadd.s32 s19, s17  }
0x2c: {  	s31 =	smul.u32 $0x4080, s18;
	v1 =	vld [tilespmem:s20+$0x0]  }
0x2d: {  	v0 =	vld [tilespmem:s20+$0xFFFFFFF0]  }
0x2e: {  	s18 =	sshra.s32 s31, $0x2  }
0x2f: {  	s18 =	sadd.s32 s18, s16  }
0x30: {  	s21 =	sadd.s32 $0x0, s18  }
0x31: {  	p1 =	por p2, p2;
	s19 =	simm.s32 $0x4;
	s20 =	sadd.s32 $0x20, s20;
	[tilespmem:s21+$0x810 ss:$0x81] =	vst.msk $0xffff, v1  }
.LBB1_4:
0x32: {  	v1 =	vld [tilespmem:s20+$0x0];
	p2 =	sne.s32 s19, $0x1FC;
	[tilespmem:s21+$0x0 ss:$0x81] =	vst.msk $0xffff, v0;
	s21 =	smov.u32 s19;
	s19 =	sadd.s32 $0x4, s19  }
.Ltmp3:
0x33: {  	v0 =	vld [tilespmem:s20+$0xFFFFFFF0];
	(pc) =	sbr.rel @p2 .LBB1_4-.Ltmp3, $4  }
0x34: {  	_ = 	snop  }
0x35: {  	s21 =	sshra.s32 s21, $0x2  }
0x36: {  	s21 =	sadd.s32 s21, s18  }
0x37: {  	s20 =	sadd.s32 $0x20, s20;
	[tilespmem:s21+$0x810 ss:$0x81] =	vst.msk $0xffff, v1  }
.Ltmp4:
0x38: {  	(pc) =	sbr.rel @p1 .LBB1_3-.Ltmp4, $2  }
0x39: {  	_ =	sdelay $0x2  }
0x3a: {  	[tilespmem:s21+$0x0 ss:$0x81] =	vst.msk $0xffff, v0;
	s18 =	simm.s32 $0x1;
	p2 =	por $0x0, $0x0  }
0x3b: {  	s16 =	sshll.u32 s13, $0x3;
	s17 =	sand.u32 $0x78, s13;
	s14 =	sshll.u32 s14, $0x10  }
.Ltmp5:
0x3c: {  	s30 =	sand.u32 $0xF800, s13;
	s16 =	sand.u32 $0x3C00, s16;
	(pc) =	sbr.rel .LBB1_7-.Ltmp5, $4  }
0x3d: {  	s31 =	sand.u32 $0x7, s13;
	s14 =	sadd.s32 s3, s14;
	s16 =	sor.u32 s17, s16  }
0x3e: {  	s13 =	sshll.u32 s31, $0x12;
	s14 =	sadd.s32 s30, s14;
	s16 =	sshrl.u32 s16, $0x3  }
0x3f: {  	s13 =	sor.u32 $0x400, s13;
	s14 =	sadd.s32 s16, s14  }
0x40: {  	[hbm4b:s14+s13] =	stream.strided.scatter [tilespmem:s15], [sflag:$0x2], $0x2000, s9, s13, $0x20;
	[tilespmem:$0x8080] =	vst v63  }
.LBB1_8:
0x41: {  	_ =	sfence.sel $0x180000  }
0x42: {  	s2 =	simm.s32 $0x1;
	[bflag:$0x0] =	sbarrier.arrive $0xFFFF  }
0x43: {  	s31 =	simm.s32 $0x2;
	[sflag:s2] =	ssyncpa.u1 $0x1  }
0x44: {  	[sflag:s31] =	ssyncpa.u1 $0x1  }
0x45: {  	p0 =	sne.s32 s0, $0x0;
	_ =	strace $0x9000004A  }
0x46: {  	s0 =	sadd.s32 @!p0 $0x100000, s1;
	[bflag:$0x2] =	sbarrier.arrive $0xFFFF  }
0x47: {  	[sflag:s0] =	ssyncadd.tile.s32 @!p0 $0x1;
	_ =	shalt  }
.Lfunc_end1:
_tile_overlayer_lowered:
.L_overlay_start_2:
0x48: {  	(tag) =	ssettag $0x2  }
0x49: {  	s0 =	rddreg [dreg:$0x0];
	s2 =	stileid.u32  }
0x4a: {  	s1 =	rddreg [dreg:$0x1];
	p0 =	sne.s32 s2, $0x0  }
0x4b: {  	s3 =	rddreg [dreg:$0x2];
	[bflag:$0x3] =	sbarrier.arrive $0xFFFF;
	s2 =	simm.s32 @!p0 $0x1C01  }
0x4c: {  	[timem:s3], [sflag:s2] =	dma.local @!p0 [hbm:s0], s1  }
0x4d: {  	s0 =	simm.s32 @!p0 $0x1  }
0x4e: {  	_ =	swait.ge @!p0 [sflag:s0], s1  }
0x4f: {  	s1 =	ssub.s32 @!p0 $0x0, s1;
	[sflag:s0] =	ssyncset.done @!p0 $0x0  }
0x50: {  	[sflag:s0] =	ssyncadd.s32 @!p0 s1  }
0x51: {  	[bflag:$0x3] =	sbarrier.arrive $0xFFFF  }
0x52: {  	_ =	shalt  }

</sc_bundles>
